<compile_context>
chip_gen: v7x
topology: tpu7x:2x2x1
jax: 0.10.2.dev20260603
libtpu: 0.0.44.dev20260713+nightly
codegen_flags: <defaults>
</compile_context>

<pallas_src>
import functools

import jax
import jax.numpy as jnp
from jax import lax
from jax.experimental import pallas as pl
from jax.experimental.pallas import tpu as pltpu
from jax.experimental.pallas import tpu_sc as plsc

NC = 2
NS = 16
NW = NC * NS


def _sc_mesh():
    return plsc.VectorSubcoreMesh(
        core_axis_name="c", subcore_axis_name="s", num_cores=NC, num_subcores=NS
    )


def _make_edge_scatter(NPAD, NB, D, CH, BR):
    RPT = NPAD // NS

    @functools.partial(
        pl.kernel,
        out_type=jax.ShapeDtypeStruct((NC, NPAD, D), jnp.float32),
        mesh=_sc_mesh(),
        scratch_types=[
            pltpu.VMEM((BR,), jnp.int32),
            pltpu.VMEM((BR,), jnp.int32),
            pltpu.VMEM((BR,), jnp.int32),
            pltpu.VMEM((BR, D), jnp.float32),
            pltpu.VMEM((BR, D), jnp.float32),
            pltpu.VMEM_SHARED((NPAD, D), jnp.float32),
            pltpu.SemaphoreType.DMA,
            pltpu.SemaphoreType.DMA,
        ],
    )
    def kern(z_hbm, rel_hbm, src_hbm, dst_hbm, et_hbm, zrow_hbm, g_out,
             sv, dv, ev, bz, br, g_sh, sga, sgb):
        c = lax.axis_index("c")
        s = lax.axis_index("s")
        wid = c * NS + s
        pltpu.sync_copy(zrow_hbm, g_sh.at[pl.ds(s * RPT, RPT)])
        plsc.subcore_barrier()

        base = wid * NB * BR

        def blk(i, carry):
            off = base + i * BR
            pltpu.sync_copy(src_hbm.at[pl.ds(off, BR)], sv)
            pltpu.sync_copy(et_hbm.at[pl.ds(off, BR)], ev)
            pltpu.sync_copy(dst_hbm.at[pl.ds(off, BR)], dv)
            cz = pltpu.async_copy(z_hbm.at[sv], bz, sga)
            cr = pltpu.async_copy(rel_hbm.at[ev], br, sgb)
            cz.wait()
            pltpu.sync_copy(bz, g_sh.at[dv], add=True)
            cr.wait()
            pltpu.sync_copy(br, g_sh.at[dv], add=True)
            return carry

        lax.fori_loop(0, NB, blk, 0)
        plsc.subcore_barrier()
        pltpu.sync_copy(
            g_sh.at[pl.ds(s * RPT, RPT)], g_out.at[c, pl.ds(s * RPT, RPT)]
        )

    return kern


def _z_body(hb, pb, w1, w2, b2, out):
    out[...] = (
        jnp.dot(hb[...], w1[...], preferred_element_type=jnp.float32)
        + jnp.dot(pb[...], w2[...], preferred_element_type=jnp.float32)
        + b2[...]
    )


def _make_edge_scatter_serial(NPAD, NB, D, CH, BR):
    NCH = NB // CH
    RPT = NPAD // NS

    @functools.partial(
        pl.kernel,
        out_type=jax.ShapeDtypeStruct((NC, NPAD, D), jnp.float32),
        mesh=_sc_mesh(),
        scratch_types=[
            pltpu.VMEM((CH, BR), jnp.int32),
            pltpu.VMEM((CH, BR), jnp.int32),
            pltpu.VMEM((BR, D), jnp.float32),
            pltpu.VMEM_SHARED((NPAD, D), jnp.float32),
            pltpu.SemaphoreType.DMA,
            pltpu.SemaphoreType.DMA,
        ],
    )
    def kern(zcat_hbm, gidx_hbm, sidx_hbm, zrow_hbm, g_out,
             gix, six, rb, g_sh, sg, ss):
        c = lax.axis_index("c")
        s = lax.axis_index("s")
        wid = c * NS + s
        pltpu.sync_copy(zrow_hbm, g_sh.at[pl.ds(s * RPT, RPT)])
        plsc.subcore_barrier()

        def chunk(ci, carry):
            base = ci * CH
            pltpu.sync_copy(gidx_hbm.at[wid, pl.ds(base, CH)], gix)
            pltpu.sync_copy(sidx_hbm.at[wid, pl.ds(base, CH)], six)

            def blk(t, carry2):
                pltpu.async_copy(zcat_hbm.at[gix.at[t]], rb, sg).wait()
                pltpu.async_copy(rb, g_sh.at[six.at[t]], ss, add=True).wait()
                return carry2

            lax.fori_loop(0, CH, blk, 0)
            return carry

        lax.fori_loop(0, NCH, chunk, 0)
        plsc.subcore_barrier()
        pltpu.sync_copy(
            g_sh.at[pl.ds(s * RPT, RPT)], g_out.at[c, pl.ds(s * RPT, RPT)]
        )

    return kern


def _merge_body(g0, g1, nrm, wn, out):
    gg = g0[...] + g1[...]
    out[...] = jnp.dot(gg, wn[...], preferred_element_type=jnp.float32) * nrm[...]


def kernel(h, pos_enc, norm, prev_h, emb_rel, W_hp, b_hp, W_neighbor, edge_index, edge_type):
    N, D = h.shape
    P = pos_enc.shape[1]
    R = emb_rel.shape[0]
    E = edge_type.shape[0]
    B = 80
    CH = 16
    NPAD = 10240
    PP = 8
    EPW = E // NW
    NB = EPW // B

    posp = jnp.concatenate([pos_enc, jnp.zeros((N, PP - P), jnp.float32)], axis=1)
    w1 = W_hp[:D]
    w2 = jnp.concatenate([W_hp[D:], jnp.zeros((PP - P, D), jnp.float32)], axis=0)
    b2 = b_hp.reshape(1, D)
    src = edge_index[0]
    dst = edge_index[1]
    zrow = jnp.zeros((NPAD // NS, D), jnp.float32)

    BN = 1000
    z = pl.pallas_call(
        _z_body,
        grid=(N // BN,),
        in_specs=[
            pl.BlockSpec((BN, D), lambda i: (i, 0)),
            pl.BlockSpec((BN, PP), lambda i: (i, 0)),
            pl.BlockSpec((D, D), lambda i: (0, 0)),
            pl.BlockSpec((PP, D), lambda i: (0, 0)),
            pl.BlockSpec((1, D), lambda i: (0, 0)),
        ],
        out_specs=pl.BlockSpec((BN, D), lambda i: (i, 0)),
        out_shape=jax.ShapeDtypeStruct((N, D), jnp.float32),
    )(h, posp, w1, w2, b2)

    g_parts = _make_edge_scatter(NPAD, NB, D, CH, B)(z, emb_rel, src, dst, edge_type, zrow)

    node_repr = pl.pallas_call(
        _merge_body,
        grid=(N // BN,),
        in_specs=[
            pl.BlockSpec((BN, D), lambda i: (i, 0)),
            pl.BlockSpec((BN, D), lambda i: (i, 0)),
            pl.BlockSpec((BN, 1), lambda i: (i, 0)),
            pl.BlockSpec((D, D), lambda i: (0, 0)),
        ],
        out_specs=pl.BlockSpec((BN, D), lambda i: (i, 0)),
        out_shape=jax.ShapeDtypeStruct((N, D), jnp.float32),
    )(g_parts[0], g_parts[1], norm, W_neighbor)
    return node_repr, pos_enc

# --- scband reference (transcript-rebuilt; emitter-appended) ---
"""Pipeline reference for scband-union-rgcnlayer-23759759082191 (READ-ONLY COPY).

The authoritative reference and input builder live on the scoring server;
editing this copy changes nothing except your own understanding.
"""

import jax, jax.numpy as jnp
import numpy as np

N = 10000
E = 320000
D = 128
P = 3
R = 200

def setup_inputs(seed: int = 0) -> dict:
    key = jax.random.key(seed)
    ks = jax.random.split(key, 8)
    h = jax.random.normal(ks[0], (N, D), dtype=jnp.float32)
    pos_enc = jax.random.normal(ks[1], (N, P), dtype=jnp.float32)
    norm = jax.random.uniform(ks[2], (N, 1), dtype=jnp.float32)
    prev_h = jnp.zeros((0, D), dtype=jnp.float32)
    emb_rel = jax.random.normal(ks[3], (R, D), dtype=jnp.float32)
    edge_index = jax.random.randint(ks[4], (2, E), 0, N, dtype=jnp.int32)
    edge_type = jax.random.randint(ks[5], (E,), 0, R, dtype=jnp.int32)
    # learned params: embedding_hp (Linear in_feat+pos_dim -> out_feat), weight_neighbor
    W_hp = jax.random.normal(ks[6], (D + P, D), dtype=jnp.float32) * (1.0 / np.sqrt(D + P))
    b_hp = jnp.zeros((D,), dtype=jnp.float32)
    W_neighbor = jax.random.normal(ks[7], (D, D), dtype=jnp.float32) * (1.0 / np.sqrt(D))
    return {"h": h, "pos_enc": pos_enc, "norm": norm, "prev_h": prev_h, "emb_rel": emb_rel,
            "W_hp": W_hp, "b_hp": b_hp, "W_neighbor": W_neighbor,
            "edge_index": edge_index, "edge_type": edge_type}

def reference(h, pos_enc, norm, prev_h, emb_rel, W_hp, b_hp, W_neighbor, edge_index, edge_type):
    # UnionRGCNLayer.forward with self_loop=False, skip_connect=False, activation=None, dropout=0
    # propagate(g): msg_func per edge, fn.sum over dst, apply_func (multiply by norm)
    src = edge_index[0]
    dst = edge_index[1]
    h_src = jnp.take(h, src, axis=0)            # [E, D] gather
    p_src = jnp.take(pos_enc, src, axis=0)      # [E, P] gather
    # edges.src['h'] = embedding_hp(cat(h_src, pos_src))
    hp = jnp.concatenate([h_src, p_src], axis=1) @ W_hp + b_hp   # [E, D]
    rel = jnp.take(emb_rel, edge_type, axis=0)  # [E, D] gather by relation type
    msg = (hp + rel) @ W_neighbor               # [E, D]
    agg = jax.ops.segment_sum(msg, dst, num_segments=h.shape[0])  # scatter-add to dst
    node_repr = agg * norm                       # apply_func: h * norm
    # propagate_p is never called in forward; pos_enc passes through unchanged
    pos_enc_out = pos_enc
    return node_repr, pos_enc_out

if __name__ == "__main__":
    import jax
    _d = setup_inputs()
    print(jax.jit(kernel)(*tuple(_d.values())))

</pallas_src>

<mosaic_0001>
#map = affine_map<(d0, d1) -> (0, 0)>
#map1 = affine_map<(d0, d1) -> (0)>
#map2 = affine_map<(d0, d1) -> (0, 0, 0)>
module attributes {stable_mosaic.version = 14 : i64} {
  func.func @kern(%arg0: i32, %arg1: i32, %arg2: memref<10000x128xf32, #tpu.memory_space<hbm>>, %arg3: memref<200x128xf32, #tpu.memory_space<hbm>>, %arg4: memref<320000xi32, #tpu.memory_space<hbm>>, %arg5: memref<320000xi32, #tpu.memory_space<hbm>>, %arg6: memref<320000xi32, #tpu.memory_space<hbm>>, %arg7: memref<640x128xf32, #tpu.memory_space<hbm>>, %arg8: memref<2x10240x128xf32, #tpu.memory_space<hbm>>, %arg9: memref<80xi32, #tpu.memory_space<vmem>>, %arg10: memref<80xi32, #tpu.memory_space<vmem>>, %arg11: memref<80xi32, #tpu.memory_space<vmem>>, %arg12: memref<80x128xf32, #tpu.memory_space<vmem>>, %arg13: memref<80x128xf32, #tpu.memory_space<vmem>>, %arg14: memref<10240x128xf32, #tpu.memory_space<vmem_shared>>, %arg15: memref<!tpu.dma_semaphore, #tpu.memory_space<semaphore_mem>>, %arg16: memref<!tpu.dma_semaphore, #tpu.memory_space<semaphore_mem>>) attributes {dimension_semantics = [#tpu.dimension_semantics<core_parallel>, #tpu.dimension_semantics<subcore_parallel>], iteration_bounds = array<i64: 2, 16>, scalar_prefetch = 0 : i64, scratch_operands = 8 : i64, tpu.core_type = #tpu.core_type<sc_vector_subcore>, window_params = [{transform_indices = #map}, {transform_indices = #map}, {transform_indices = #map1}, {transform_indices = #map1}, {transform_indices = #map1}, {transform_indices = #map}, {transform_indices = #map2}]} {
    %mul3A = arith.constant 16 : i32
    %mul3A_0 = arith.muli %arg0, %mul3A : i32
    %add3A = arith.addi %mul3A_0, %arg1 : i32
    %mul3A_1 = arith.constant 640 : i32
    %mul3A_2 = arith.muli %arg1, %mul3A_1 : i32
    "tpu.region"() ({
      %run_scoped3A = tpu.sem_alloc : memref<!tpu.dma_semaphore, #tpu.memory_space<semaphore_mem>>
      %dma_start3A = arith.constant 0 : i32
      %dma_start3A_17 = tpu.memref_slice %arg14[%mul3A_2, %dma_start3A] : memref<10240x128xf32, #tpu.memory_space<vmem_shared>> -> memref<640x128xf32, #tpu.memory_space<vmem_shared>>
      tpu.enqueue_dma source(%arg7 : memref<640x128xf32, #tpu.memory_space<hbm>>) target(%dma_start3A_17 : memref<640x128xf32, #tpu.memory_space<vmem_shared>>) target_semaphore(%run_scoped3A : memref<!tpu.dma_semaphore, #tpu.memory_space<semaphore_mem>>)
      %dma_wait3A = arith.constant 0 : i32
      %dma_wait3A_18 = tpu.memref_slice %arg14[%mul3A_2, %dma_wait3A] : memref<10240x128xf32, #tpu.memory_space<vmem_shared>> -> memref<640x128xf32, #tpu.memory_space<vmem_shared>>
      tpu.wait_dma2 semaphore(%run_scoped3A : memref<!tpu.dma_semaphore, #tpu.memory_space<semaphore_mem>>) src(%arg7 : memref<640x128xf32, #tpu.memory_space<hbm>>) dst(%dma_wait3A_18 : memref<640x128xf32, #tpu.memory_space<vmem_shared>>)
      tpu.yield
    }) : () -> ()
    %barrier3A = arith.constant 0 : index
    tpu.barrier barrier_id(%barrier3A)
    %mul3A_3 = arith.constant 125 : i32
    %mul3A_4 = arith.muli %add3A, %mul3A_3 : i32
    %mul3A_5 = arith.constant 80 : i32
    %mul3A_6 = arith.muli %mul3A_4, %mul3A_5 : i32
    %scan3A = arith.constant 0 : i32
    %scan3A_7 = arith.constant 0 : i32
    %scan3A_8 = arith.constant 125 : i32
    %scan3A_9 = arith.addi %scan3A_7, %scan3A_8 : i32
    %scan3A_10 = arith.constant 1 : i32
    scf.for %scan3A_17 = %scan3A_7 to %scan3A_9 step %scan3A_10  : i32 {
      %mul3A_18 = arith.constant 80 : i32
      %mul3A_19 = arith.muli %scan3A_17, %mul3A_18 : i32
      %add3A_20 = arith.addi %mul3A_6, %mul3A_19 : i32
      "tpu.region"() ({
        %run_scoped3A = tpu.sem_alloc : memref<!tpu.dma_semaphore, #tpu.memory_space<semaphore_mem>>
        %dma_start3A_31 = tpu.memref_slice %arg4[%add3A_20] : memref<320000xi32, #tpu.memory_space<hbm>> -> memref<80xi32, #tpu.memory_space<hbm>>
        %dma_start3A_32 = tpu.memref_slice %arg4[%add3A_20] : memref<320000xi32, #tpu.memory_space<hbm>> -> memref<80xi32, #tpu.memory_space<hbm>>
        tpu.enqueue_dma source(%dma_start3A_32 : memref<80xi32, #tpu.memory_space<hbm>>) target(%arg9 : memref<80xi32, #tpu.memory_space<vmem>>) target_semaphore(%run_scoped3A : memref<!tpu.dma_semaphore, #tpu.memory_space<semaphore_mem>>)
        %dma_wait3A_33 = tpu.memref_slice %arg4[%add3A_20] : memref<320000xi32, #tpu.memory_space<hbm>> -> memref<80xi32, #tpu.memory_space<hbm>>
        %dma_wait3A_34 = tpu.memref_slice %arg4[%add3A_20] : memref<320000xi32, #tpu.memory_space<hbm>> -> memref<80xi32, #tpu.memory_space<hbm>>
        tpu.wait_dma2 semaphore(%run_scoped3A : memref<!tpu.dma_semaphore, #tpu.memory_space<semaphore_mem>>) src(%dma_wait3A_34 : memref<80xi32, #tpu.memory_space<hbm>>) dst(%arg9 : memref<80xi32, #tpu.memory_space<vmem>>)
        tpu.yield
      }) : () -> ()
      "tpu.region"() ({
        %run_scoped3A = tpu.sem_alloc : memref<!tpu.dma_semaphore, #tpu.memory_space<semaphore_mem>>
        %dma_start3A_31 = tpu.memref_slice %arg6[%add3A_20] : memref<320000xi32, #tpu.memory_space<hbm>> -> memref<80xi32, #tpu.memory_space<hbm>>
        %dma_start3A_32 = tpu.memref_slice %arg6[%add3A_20] : memref<320000xi32, #tpu.memory_space<hbm>> -> memref<80xi32, #tpu.memory_space<hbm>>
        tpu.enqueue_dma source(%dma_start3A_32 : memref<80xi32, #tpu.memory_space<hbm>>) target(%arg11 : memref<80xi32, #tpu.memory_space<vmem>>) target_semaphore(%run_scoped3A : memref<!tpu.dma_semaphore, #tpu.memory_space<semaphore_mem>>)
        %dma_wait3A_33 = tpu.memref_slice %arg6[%add3A_20] : memref<320000xi32, #tpu.memory_space<hbm>> -> memref<80xi32, #tpu.memory_space<hbm>>
        %dma_wait3A_34 = tpu.memref_slice %arg6[%add3A_20] : memref<320000xi32, #tpu.memory_space<hbm>> -> memref<80xi32, #tpu.memory_space<hbm>>
        tpu.wait_dma2 semaphore(%run_scoped3A : memref<!tpu.dma_semaphore, #tpu.memory_space<semaphore_mem>>) src(%dma_wait3A_34 : memref<80xi32, #tpu.memory_space<hbm>>) dst(%arg11 : memref<80xi32, #tpu.memory_space<vmem>>)
        tpu.yield
      }) : () -> ()
      "tpu.region"() ({
        %run_scoped3A = tpu.sem_alloc : memref<!tpu.dma_semaphore, #tpu.memory_space<semaphore_mem>>
        %dma_start3A_31 = tpu.memref_slice %arg5[%add3A_20] : memref<320000xi32, #tpu.memory_space<hbm>> -> memref<80xi32, #tpu.memory_space<hbm>>
        %dma_start3A_32 = tpu.memref_slice %arg5[%add3A_20] : memref<320000xi32, #tpu.memory_space<hbm>> -> memref<80xi32, #tpu.memory_space<hbm>>
        tpu.enqueue_dma source(%dma_start3A_32 : memref<80xi32, #tpu.memory_space<hbm>>) target(%arg10 : memref<80xi32, #tpu.memory_space<vmem>>) target_semaphore(%run_scoped3A : memref<!tpu.dma_semaphore, #tpu.memory_space<semaphore_mem>>)
        %dma_wait3A_33 = tpu.memref_slice %arg5[%add3A_20] : memref<320000xi32, #tpu.memory_space<hbm>> -> memref<80xi32, #tpu.memory_space<hbm>>
        %dma_wait3A_34 = tpu.memref_slice %arg5[%add3A_20] : memref<320000xi32, #tpu.memory_space<hbm>> -> memref<80xi32, #tpu.memory_space<hbm>>
        tpu.wait_dma2 semaphore(%run_scoped3A : memref<!tpu.dma_semaphore, #tpu.memory_space<semaphore_mem>>) src(%dma_wait3A_34 : memref<80xi32, #tpu.memory_space<hbm>>) dst(%arg10 : memref<80xi32, #tpu.memory_space<vmem>>)
        tpu.yield
      }) : () -> ()
      %dma_start3A = arith.constant 0 : i32
      %dma_start3A_21 = arith.constant 0 : i32
      %dma_start3A_22 = tpu.memref_slice %arg2[%dma_start3A, %dma_start3A_21] : memref<10000x128xf32, #tpu.memory_space<hbm>> -> memref<10000x128xf32, #tpu.memory_space<hbm>>
      tpu.enqueue_indirect_dma source(%dma_start3A_22 : memref<10000x128xf32, #tpu.memory_space<hbm>>) target(%arg12 : memref<80x128xf32, #tpu.memory_space<vmem>>) offsets(%arg9 : memref<80xi32, #tpu.memory_space<vmem>>) semaphore(%arg15 : memref<!tpu.dma_semaphore, #tpu.memory_space<semaphore_mem>>)
      %dma_start3A_23 = arith.constant 0 : i32
      %dma_start3A_24 = arith.constant 0 : i32
      %dma_start3A_25 = tpu.memref_slice %arg3[%dma_start3A_23, %dma_start3A_24] : memref<200x128xf32, #tpu.memory_space<hbm>> -> memref<200x128xf32, #tpu.memory_space<hbm>>
      tpu.enqueue_indirect_dma source(%dma_start3A_25 : memref<200x128xf32, #tpu.memory_space<hbm>>) target(%arg13 : memref<80x128xf32, #tpu.memory_space<vmem>>) offsets(%arg11 : memref<80xi32, #tpu.memory_space<vmem>>) semaphore(%arg16 : memref<!tpu.dma_semaphore, #tpu.memory_space<semaphore_mem>>)
      %dma_wait3A = arith.constant 0 : i32
      %dma_wait3A_26 = arith.constant 0 : i32
      %dma_wait3A_27 = tpu.memref_slice %arg2[%dma_wait3A, %dma_wait3A_26] : memref<10000x128xf32, #tpu.memory_space<hbm>> -> memref<10000x128xf32, #tpu.memory_space<hbm>>
      tpu.wait_indirect_dma semaphore(%arg15 : memref<!tpu.dma_semaphore, #tpu.memory_space<semaphore_mem>>) src(%dma_wait3A_27 : memref<10000x128xf32, #tpu.memory_space<hbm>>) dst(%arg12 : memref<80x128xf32, #tpu.memory_space<vmem>>)
      "tpu.region"() ({
        %run_scoped3A = tpu.sem_alloc : memref<!tpu.dma_semaphore, #tpu.memory_space<semaphore_mem>>
        %dma_start3A_31 = arith.constant 0 : i32
        %dma_start3A_32 = arith.constant 0 : i32
        %dma_start3A_33 = tpu.memref_slice %arg14[%dma_start3A_31, %dma_start3A_32] : memref<10240x128xf32, #tpu.memory_space<vmem_shared>> -> memref<10240x128xf32, #tpu.memory_space<vmem_shared>>
        tpu.enqueue_indirect_dma source(%arg12 : memref<80x128xf32, #tpu.memory_space<vmem>>) target(%dma_start3A_33 : memref<10240x128xf32, #tpu.memory_space<vmem_shared>>) offsets(%arg10 : memref<80xi32, #tpu.memory_space<vmem>>) semaphore(%run_scoped3A : memref<!tpu.dma_semaphore, #tpu.memory_space<semaphore_mem>>) {add = true}
        %dma_wait3A_34 = arith.constant 0 : i32
        %dma_wait3A_35 = arith.constant 0 : i32
        %dma_wait3A_36 = tpu.memref_slice %arg14[%dma_wait3A_34, %dma_wait3A_35] : memref<10240x128xf32, #tpu.memory_space<vmem_shared>> -> memref<10240x128xf32, #tpu.memory_space<vmem_shared>>
        tpu.wait_indirect_dma semaphore(%run_scoped3A : memref<!tpu.dma_semaphore, #tpu.memory_space<semaphore_mem>>) src(%arg12 : memref<80x128xf32, #tpu.memory_space<vmem>>) dst(%dma_wait3A_36 : memref<10240x128xf32, #tpu.memory_space<vmem_shared>>)
        tpu.yield
      }) : () -> ()
      %dma_wait3A_28 = arith.constant 0 : i32
      %dma_wait3A_29 = arith.constant 0 : i32
      %dma_wait3A_30 = tpu.memref_slice %arg3[%dma_wait3A_28, %dma_wait3A_29] : memref<200x128xf32, #tpu.memory_space<hbm>> -> memref<200x128xf32, #tpu.memory_space<hbm>>
      tpu.wait_indirect_dma semaphore(%arg16 : memref<!tpu.dma_semaphore, #tpu.memory_space<semaphore_mem>>) src(%dma_wait3A_30 : memref<200x128xf32, #tpu.memory_space<hbm>>) dst(%arg13 : memref<80x128xf32, #tpu.memory_space<vmem>>)
      "tpu.region"() ({
        %run_scoped3A = tpu.sem_alloc : memref<!tpu.dma_semaphore, #tpu.memory_space<semaphore_mem>>
        %dma_start3A_31 = arith.constant 0 : i32
        %dma_start3A_32 = arith.constant 0 : i32
        %dma_start3A_33 = tpu.memref_slice %arg14[%dma_start3A_31, %dma_start3A_32] : memref<10240x128xf32, #tpu.memory_space<vmem_shared>> -> memref<10240x128xf32, #tpu.memory_space<vmem_shared>>
        tpu.enqueue_indirect_dma source(%arg13 : memref<80x128xf32, #tpu.memory_space<vmem>>) target(%dma_start3A_33 : memref<10240x128xf32, #tpu.memory_space<vmem_shared>>) offsets(%arg10 : memref<80xi32, #tpu.memory_space<vmem>>) semaphore(%run_scoped3A : memref<!tpu.dma_semaphore, #tpu.memory_space<semaphore_mem>>) {add = true}
        %dma_wait3A_34 = arith.constant 0 : i32
        %dma_wait3A_35 = arith.constant 0 : i32
        %dma_wait3A_36 = tpu.memref_slice %arg14[%dma_wait3A_34, %dma_wait3A_35] : memref<10240x128xf32, #tpu.memory_space<vmem_shared>> -> memref<10240x128xf32, #tpu.memory_space<vmem_shared>>
        tpu.wait_indirect_dma semaphore(%run_scoped3A : memref<!tpu.dma_semaphore, #tpu.memory_space<semaphore_mem>>) src(%arg13 : memref<80x128xf32, #tpu.memory_space<vmem>>) dst(%dma_wait3A_36 : memref<10240x128xf32, #tpu.memory_space<vmem_shared>>)
        tpu.yield
      }) : () -> ()
    }
    %scan3A_11 = arith.constant 125 : i32
    %barrier3A_12 = arith.constant 0 : index
    tpu.barrier barrier_id(%barrier3A_12)
    %mul3A_13 = arith.constant 640 : i32
    %mul3A_14 = arith.muli %arg1, %mul3A_13 : i32
    %mul3A_15 = arith.constant 640 : i32
    %mul3A_16 = arith.muli %arg1, %mul3A_15 : i32
    "tpu.region"() ({
      %run_scoped3A = tpu.sem_alloc : memref<!tpu.dma_semaphore, #tpu.memory_space<semaphore_mem>>
      %dma_start3A = arith.constant 0 : i32
      %dma_start3A_17 = tpu.memref_slice %arg8[%arg0, %mul3A_16, %dma_start3A] : memref<2x10240x128xf32, #tpu.memory_space<hbm>> -> memref<1x640x128xf32, #tpu.memory_space<hbm>>
      %dma_start3A_18 = tpu.memref_squeeze %dma_start3A_17 : memref<1x640x128xf32, #tpu.memory_space<hbm>> -> memref<640x128xf32, #tpu.memory_space<hbm>>
      %dma_start3A_19 = arith.constant 0 : i32
      %dma_start3A_20 = tpu.memref_slice %arg14[%mul3A_14, %dma_start3A_19] : memref<10240x128xf32, #tpu.memory_space<vmem_shared>> -> memref<640x128xf32, #tpu.memory_space<vmem_shared>>
      tpu.enqueue_dma source(%dma_start3A_20 : memref<640x128xf32, #tpu.memory_space<vmem_shared>>) target(%dma_start3A_18 : memref<640x128xf32, #tpu.memory_space<hbm>>) target_semaphore(%run_scoped3A : memref<!tpu.dma_semaphore, #tpu.memory_space<semaphore_mem>>)
      %dma_wait3A = arith.constant 0 : i32
      %dma_wait3A_21 = tpu.memref_slice %arg8[%arg0, %mul3A_16, %dma_wait3A] : memref<2x10240x128xf32, #tpu.memory_space<hbm>> -> memref<1x640x128xf32, #tpu.memory_space<hbm>>
      %dma_wait3A_22 = tpu.memref_squeeze %dma_wait3A_21 : memref<1x640x128xf32, #tpu.memory_space<hbm>> -> memref<640x128xf32, #tpu.memory_space<hbm>>
      %dma_wait3A_23 = arith.constant 0 : i32
      %dma_wait3A_24 = tpu.memref_slice %arg14[%mul3A_14, %dma_wait3A_23] : memref<10240x128xf32, #tpu.memory_space<vmem_shared>> -> memref<640x128xf32, #tpu.memory_space<vmem_shared>>
      tpu.wait_dma2 semaphore(%run_scoped3A : memref<!tpu.dma_semaphore, #tpu.memory_space<semaphore_mem>>) src(%dma_wait3A_24 : memref<640x128xf32, #tpu.memory_space<vmem_shared>>) dst(%dma_wait3A_22 : memref<640x128xf32, #tpu.memory_space<hbm>>)
      tpu.yield
    }) : () -> ()
    return
  }
}

module attributes {stable_mosaic.version = 14 : i64} {
  func.func @_z_body(%arg0: i32, %arg1: memref<1000x128xf32, #tpu.memory_space<vmem>>, %arg2: memref<1000x8xf32, #tpu.memory_space<vmem>>, %arg3: memref<128x128xf32, #tpu.memory_space<vmem>>, %arg4: memref<8x128xf32, #tpu.memory_space<vmem>>, %arg5: memref<1x128xf32, #tpu.memory_space<vmem>>, %arg6: memref<1000x128xf32, #tpu.memory_space<vmem>>) attributes {dimension_semantics = [#tpu.dimension_semantics<arbitrary>], iteration_bounds = array<i64: 10>, scalar_prefetch = 0 : i64, scratch_operands = 0 : i64, tpu.core_type = #tpu.core_type<tc>, window_params = [{transform_indices = @transform_0, window_bounds = array<i64: 1000, 128>}, {transform_indices = @transform_1, window_bounds = array<i64: 1000, 8>}, {pipeline_mode = #tpu.pipeline_mode<synchronous>, transform_indices = @transform_2, window_bounds = array<i64: 128, 128>}, {pipeline_mode = #tpu.pipeline_mode<synchronous>, transform_indices = @transform_3, window_bounds = array<i64: 8, 128>}, {pipeline_mode = #tpu.pipeline_mode<synchronous>, transform_indices = @transform_4, window_bounds = array<i64: 1, 128>}, {transform_indices = @transform_5, window_bounds = array<i64: 1000, 128>}]} {
    %get3A = arith.constant 0 : index
    %get3A_0 = arith.constant 0 : index
    %get3A_1 = vector.load %arg1[%get3A, %get3A_0] : memref<1000x128xf32, #tpu.memory_space<vmem>>, vector<1000x128xf32>
    %get3A_2 = arith.constant 0 : index
    %get3A_3 = arith.constant 0 : index
    %get3A_4 = vector.load %arg3[%get3A_2, %get3A_3] : memref<128x128xf32, #tpu.memory_space<vmem>>, vector<128x128xf32>
    %dot_general3A = arith.constant dense<0.000000e+00> : vector<1000x128xf32>
    %dot_general3A_5 = tpu.matmul %get3A_1, %get3A_4, %dot_general3A {dimension_numbers = #tpu.dot_dimension_numbers<[1], [0], [0], [1], [0, 0, 1, 1], [], []>, transpose_lhs_hint = false} : vector<1000x128xf32>, vector<128x128xf32>, vector<1000x128xf32> -> vector<1000x128xf32>
    %get3A_6 = arith.constant 0 : index
    %get3A_7 = arith.constant 0 : index
    %get3A_8 = vector.load %arg2[%get3A_6, %get3A_7] : memref<1000x8xf32, #tpu.memory_space<vmem>>, vector<1000x8xf32>
    %get3A_9 = arith.constant 0 : index
    %get3A_10 = arith.constant 0 : index
    %get3A_11 = vector.load %arg4[%get3A_9, %get3A_10] : memref<8x128xf32, #tpu.memory_space<vmem>>, vector<8x128xf32>
    %dot_general3A_12 = arith.constant dense<0.000000e+00> : vector<1000x128xf32>
    %dot_general3A_13 = tpu.matmul %get3A_8, %get3A_11, %dot_general3A_12 {dimension_numbers = #tpu.dot_dimension_numbers<[1], [0], [0], [1], [0, 0, 1, 1], [], []>, transpose_lhs_hint = false} : vector<1000x8xf32>, vector<8x128xf32>, vector<1000x128xf32> -> vector<1000x128xf32>
    %add3A = arith.addf %dot_general3A_5, %dot_general3A_13 : vector<1000x128xf32>
    %get3A_14 = arith.constant 0 : index
    %get3A_15 = arith.constant 0 : index
    %get3A_16 = vector.load %arg5[%get3A_14, %get3A_15] : memref<1x128xf32, #tpu.memory_space<vmem>>, vector<1x128xf32>
    %add3A_17 = vector.broadcast %get3A_16 : vector<1x128xf32> to vector<1000x128xf32>
    %add3A_18 = arith.addf %add3A, %add3A_17 : vector<1000x128xf32>
    %swap3A = arith.constant 0 : index
    %swap3A_19 = arith.constant 0 : index
    %swap3A_20 = vector.load %arg6[%swap3A, %swap3A_19] : memref<1000x128xf32, #tpu.memory_space<vmem>>, vector<1000x128xf32>
    tpu.vector_store %arg6[%swap3A, %swap3A_19], %add3A_18 {strides = array<i32>} : memref<1000x128xf32, #tpu.memory_space<vmem>>, vector<1000x128xf32>,
    return
  }
  func.func @transform_0(%arg0: i32) -> (i32, i32) {
    %c0_i32 = arith.constant 0 : i32
    %c0_i32_0 = arith.constant 0 : i32
    return %arg0, %c0_i32 : i32, i32
  }
  func.func @transform_1(%arg0: i32) -> (i32, i32) {
    %c0_i32 = arith.constant 0 : i32
    %c0_i32_0 = arith.constant 0 : i32
    return %arg0, %c0_i32 : i32, i32
  }
  func.func @transform_2(%arg0: i32) -> (i32, i32) {
    %c0_i32 = arith.constant 0 : i32
    %c0_i32_0 = arith.constant 0 : i32
    %c0_i32_1 = arith.constant 0 : i32
    return %c0_i32, %c0_i32_0 : i32, i32
  }
  func.func @transform_3(%arg0: i32) -> (i32, i32) {
    %c0_i32 = arith.constant 0 : i32
    %c0_i32_0 = arith.constant 0 : i32
    %c0_i32_1 = arith.constant 0 : i32
    return %c0_i32, %c0_i32_0 : i32, i32
  }
  func.func @transform_4(%arg0: i32) -> (i32, i32) {
    %c0_i32 = arith.constant 0 : i32
    %c0_i32_0 = arith.constant 0 : i32
    %c0_i32_1 = arith.constant 0 : i32
    return %c0_i32, %c0_i32_0 : i32, i32
  }
  func.func @transform_5(%arg0: i32) -> (i32, i32) {
    %c0_i32 = arith.constant 0 : i32
    %c0_i32_0 = arith.constant 0 : i32
    return %arg0, %c0_i32 : i32, i32
  }
}

module attributes {stable_mosaic.version = 14 : i64} {
  func.func @_merge_body(%arg0: i32, %arg1: memref<1000x128xf32, #tpu.memory_space<vmem>>, %arg2: memref<1000x128xf32, #tpu.memory_space<vmem>>, %arg3: memref<1000x1xf32, #tpu.memory_space<vmem>>, %arg4: memref<128x128xf32, #tpu.memory_space<vmem>>, %arg5: memref<1000x128xf32, #tpu.memory_space<vmem>>) attributes {dimension_semantics = [#tpu.dimension_semantics<arbitrary>], iteration_bounds = array<i64: 10>, scalar_prefetch = 0 : i64, scratch_operands = 0 : i64, tpu.core_type = #tpu.core_type<tc>, window_params = [{transform_indices = @transform_0, window_bounds = array<i64: 1000, 128>}, {transform_indices = @transform_1, window_bounds = array<i64: 1000, 128>}, {transform_indices = @transform_2, window_bounds = array<i64: 1000, 1>}, {pipeline_mode = #tpu.pipeline_mode<synchronous>, transform_indices = @transform_3, window_bounds = array<i64: 128, 128>}, {transform_indices = @transform_4, window_bounds = array<i64: 1000, 128>}]} {
    %get3A = arith.constant 0 : index
    %get3A_0 = arith.constant 0 : index
    %get3A_1 = vector.load %arg1[%get3A, %get3A_0] : memref<1000x128xf32, #tpu.memory_space<vmem>>, vector<1000x128xf32>
    %get3A_2 = arith.constant 0 : index
    %get3A_3 = arith.constant 0 : index
    %get3A_4 = vector.load %arg2[%get3A_2, %get3A_3] : memref<1000x128xf32, #tpu.memory_space<vmem>>, vector<1000x128xf32>
    %add3A = arith.addf %get3A_1, %get3A_4 : vector<1000x128xf32>
    %get3A_5 = arith.constant 0 : index
    %get3A_6 = arith.constant 0 : index
    %get3A_7 = vector.load %arg4[%get3A_5, %get3A_6] : memref<128x128xf32, #tpu.memory_space<vmem>>, vector<128x128xf32>
    %dot_general3A = arith.constant dense<0.000000e+00> : vector<1000x128xf32>
    %dot_general3A_8 = tpu.matmul %add3A, %get3A_7, %dot_general3A {dimension_numbers = #tpu.dot_dimension_numbers<[1], [0], [0], [1], [0, 0, 1, 1], [], []>, transpose_lhs_hint = false} : vector<1000x128xf32>, vector<128x128xf32>, vector<1000x128xf32> -> vector<1000x128xf32>
    %get3A_9 = arith.constant 0 : index
    %get3A_10 = arith.constant 0 : index
    %get3A_11 = vector.load %arg3[%get3A_9, %get3A_10] : memref<1000x1xf32, #tpu.memory_space<vmem>>, vector<1000x1xf32>
    %mul3A = vector.broadcast %get3A_11 : vector<1000x1xf32> to vector<1000x128xf32>
    %mul3A_12 = arith.mulf %dot_general3A_8, %mul3A : vector<1000x128xf32>
    %swap3A = arith.constant 0 : index
    %swap3A_13 = arith.constant 0 : index
    %swap3A_14 = vector.load %arg5[%swap3A, %swap3A_13] : memref<1000x128xf32, #tpu.memory_space<vmem>>, vector<1000x128xf32>
    tpu.vector_store %arg5[%swap3A, %swap3A_13], %mul3A_12 {strides = array<i32>} : memref<1000x128xf32, #tpu.memory_space<vmem>>, vector<1000x128xf32>,
    return
  }
  func.func @transform_0(%arg0: i32) -> (i32, i32) {
    %c0_i32 = arith.constant 0 : i32
    %c0_i32_0 = arith.constant 0 : i32
    return %arg0, %c0_i32 : i32, i32
  }
  func.func @transform_1(%arg0: i32) -> (i32, i32) {
    %c0_i32 = arith.constant 0 : i32
    %c0_i32_0 = arith.constant 0 : i32
    return %arg0, %c0_i32 : i32, i32
  }
  func.func @transform_2(%arg0: i32) -> (i32, i32) {
    %c0_i32 = arith.constant 0 : i32
    %c0_i32_0 = arith.constant 0 : i32
    return %arg0, %c0_i32 : i32, i32
  }
  func.func @transform_3(%arg0: i32) -> (i32, i32) {
    %c0_i32 = arith.constant 0 : i32
    %c0_i32_0 = arith.constant 0 : i32
    %c0_i32_1 = arith.constant 0 : i32
    return %c0_i32, %c0_i32_0 : i32, i32
  }
  func.func @transform_4(%arg0: i32) -> (i32, i32) {
    %c0_i32 = arith.constant 0 : i32
    %c0_i32_0 = arith.constant 0 : i32
    return %arg0, %c0_i32 : i32, i32
  }
}

</mosaic_0001>

<sc_bundles>
// kernel: kernel.5.cloned.1.call-start
scs
__scs_entry_jumppad:
0x0: {  	(pc) =	sbr.rel $0x88, $3  }
0x1: {  	(tag) =	ssettag $0x0;
	lr =	simm.s32 $0x1  }
0x2: {  	[smem:$0x3F98] =	sst lr;
	_ =	strace $0xD0000000  }
0x3: {  	_ = 	snop  }
0x4: {  	_ = 	snop  }
0x5: {  	_ = 	snop  }
0x6: {  	_ = 	snop  }
0x7: {  	_ = 	snop  }
__scs_overlays_trampoline_lowered:
0x8: {  	[smem:$0x3FA7] =	sst s0  }
0x9: {  	[smem:$0x3FA8] =	sst s1  }
0xa: {  	[smem:$0x3FA9] =	sst s2  }
0xb: {  	[smem:$0x3FAA] =	sst s3  }
0xc: {  	[smem:$0x3FAB] =	sst s4  }
0xd: {  	[smem:$0x3FAC] =	sst s5  }
0xe: {  	[smem:$0x3FAD] =	sst s6  }
0xf: {  	[smem:$0x3FAE] =	sst s7  }
0x10: {  	[smem:$0x3FAF] =	sst s8  }
0x11: {  	[smem:$0x3FB0] =	sst s9;
	s0 =	simm.s32 @!p0 $0x0  }
0x12: {  	s1 =	sld [smem:$0x3F96];
	s0 =	simm.s32 @p0 $0x1  }
0x13: {  	[smem:$0x3FB1] =	sst s0;
	s0 =	simm.s32 @!p1 $0x0  }
0x14: {  	s2 =	sld [smem:$0x3F95];
	s0 =	simm.s32 @p1 $0x1  }
0x15: {  	[smem:$0x3FB2] =	sst s0;
	s0 =	simm.s32 @!p2 $0x0  }
0x16: {  	s3 =	sld [smem:$0x3FDB];
	s0 =	simm.s32 @p2 $0x1  }
0x17: {  	s4 =	simm.s32 $0x1BF5;
	[smem:$0x3FB4] =	sst s0  }
0x18: {  	s0 =	sld [smem:$0x3F97];
	_ =	swait.ge [sflag:s4], $0x0  }
0x19: {  	s7 =	sld [smem:$0x3F98]  }
0x1a: {  	s8 =	sadd.s32 $0xFFFFE003, lr  }
0x1b: {  	s9 =	sadd.s32 $0xFFFFFEF7, lr;
	s5 =	simm.s32 $0xFFFFFFFF;
	p2 =	slt.u32 s8, $0xFFFFF086  }
0x1c: {  	p1 =	slt.u32 s9, $0xF7A;
	s5 =	simm.s32 @!p2 $0x0  }
0x1d: {  	s5 =	simm.s32 @p1 $0x1;
	p0 =	seq.s32 s7, s2  }
0x1e: {  	s7 =	smul.u32 @!p0 $0xF7A, s2;
	p2 =	seq.s32 @!p0 s5, $0x0  }
0x1f: {  	s9 =	smul.u32 $0xF7A, s1;
	s8 =	simm.s32 @!p0 $0x1BF5;
	p2 =	por !p2, p0  }
0x20: {  	[sflag:s8] =	ssyncset.s32 @!p0 $0xFFFFF086;
	s6 =	sadd.s32 @!p0 s3, s7;
	s7 =	simm.s32 @!p0 $0x108  }
0x21: {  	s3 =	sadd.s32 s3, s9;
	s6 =	sadd.s32 @!p0 $0x88, s6;
	s7 =	simm.s32 @p2 $0x1082  }
0x22: {  	[simem:s7], [sflag:s8] =	dma.local @!p0 [hbm:s6], $0xF7A  }
0x23: {  	s9 =	sor.u32 $0xD0000000, s2;
	s6 =	simm.s32 $0x108;
	_ =	swait.ge @!p0 [sflag:s8], $0x0  }
0x24: {  	s3 =	sadd.s32 $0x88, s3;
	s6 =	simm.s32 @!p1 $0x1082;
	[sflag:s4] =	ssyncset.s32 $0xFFFFF086  }
0x25: {  	[simem:s6], [sflag:s4] =	dma.local [hbm:s3], $0xF7A  }
0x26: {  	[smem:$0x3F98] =	sst s1;
	(tag) =	ssettag s2;
	_ =	strace s9  }
0x27: {  	s1 =	sld [smem:$0x3FA8]  }
0x28: {  	s2 =	sld [smem:$0x3FA9]  }
0x29: {  	s4 =	sld [smem:$0x3FAB]  }
0x2a: {  	p0 =	seq.s32 s5, $0x0;
	s5 =	sld [smem:$0x3FAC]  }
0x2b: {  	s6 =	sld [smem:$0x3FAD]  }
0x2c: {  	s7 =	sld [smem:$0x3FAE]  }
0x2d: {  	s3 =	simm.s32 $0x108;
	s8 =	sld [smem:$0x3FAF]  }
0x2e: {  	s3 =	simm.s32 @!p0 $0x1082;
	s9 =	sld [smem:$0x3FB0]  }
0x2f: {  	lr =	sadd.s32 s0, s3;
	s0 =	sld [smem:$0x3FA7]  }
0x30: {  	s3 =	sld [smem:$0x3FAA]  }
0x31: {  	[smem:$0x3FB3] =	sst s10  }
0x32: {  	s10 =	sld [smem:$0x3FB1];
	_ =	sdelay $0x3  }
0x33: {  	p0 =	seq.s32 s10, $0x1;
	s10 =	sld [smem:$0x3FB3];
	_ =	sdelay $0x3  }
0x34: {  	[smem:$0x3FB3] =	sst s10  }
0x35: {  	s10 =	sld [smem:$0x3FB2];
	_ =	sdelay $0x3  }
0x36: {  	p1 =	seq.s32 s10, $0x1;
	s10 =	sld [smem:$0x3FB3];
	_ =	sdelay $0x3  }
0x37: {  	[smem:$0x3FB3] =	sst s10  }
0x38: {  	s10 =	sld [smem:$0x3FB4]  }
0x39: {  	_ = 	snop;
	(pc) =	sbr.ind lr, $3  }
0x3a: {  	_ = 	snop  }
0x3b: {  	_ = 	snop  }
0x3c: {  	p2 =	seq.s32 s10, $0x1;
	s10 =	sld [smem:$0x3FB3]  }
0x3d: {  	_ =	shalt  }
0x3e: {  	_ =	shalt  }
0x3f: {  	_ =	shalt  }
0x40: {  	_ =	shalt  }
0x41: {  	_ =	shalt  }
0x42: {  	_ =	shalt  }
0x43: {  	_ =	shalt  }
0x44: {  	_ =	shalt  }
0x45: {  	_ =	shalt  }
0x46: {  	_ =	shalt  }
0x47: {  	_ =	shalt  }
0x48: {  	_ =	shalt  }
0x49: {  	_ =	shalt  }
0x4a: {  	_ =	shalt  }
0x4b: {  	_ =	shalt  }
0x4c: {  	_ =	shalt  }
0x4d: {  	_ =	shalt  }
0x4e: {  	_ =	shalt  }
0x4f: {  	_ =	shalt  }
0x50: {  	_ =	shalt  }
0x51: {  	_ =	shalt  }
0x52: {  	_ =	shalt  }
0x53: {  	_ =	shalt  }
0x54: {  	_ =	shalt  }
0x55: {  	_ =	shalt  }
0x56: {  	_ =	shalt  }
0x57: {  	_ =	shalt  }
0x58: {  	_ =	shalt  }
0x59: {  	_ =	shalt  }
0x5a: {  	_ =	shalt  }
0x5b: {  	_ =	shalt  }
0x5c: {  	_ =	shalt  }
0x5d: {  	_ =	shalt  }
0x5e: {  	_ =	shalt  }
0x5f: {  	_ =	shalt  }
0x60: {  	_ =	shalt  }
0x61: {  	_ =	shalt  }
0x62: {  	_ =	shalt  }
0x63: {  	_ =	shalt  }
0x64: {  	_ =	shalt  }
0x65: {  	_ =	shalt  }
0x66: {  	_ =	shalt  }
0x67: {  	_ =	shalt  }
0x68: {  	_ =	shalt  }
0x69: {  	_ =	shalt  }
0x6a: {  	_ =	shalt  }
0x6b: {  	_ =	shalt  }
0x6c: {  	_ =	shalt  }
0x6d: {  	_ =	shalt  }
0x6e: {  	_ =	shalt  }
0x6f: {  	_ =	shalt  }
0x70: {  	_ =	shalt  }
0x71: {  	_ =	shalt  }
0x72: {  	_ =	shalt  }
0x73: {  	_ =	shalt  }
0x74: {  	_ =	shalt  }
0x75: {  	_ =	shalt  }
0x76: {  	_ =	shalt  }
0x77: {  	_ =	shalt  }
0x78: {  	_ =	shalt  }
0x79: {  	_ =	shalt  }
0x7a: {  	_ =	shalt  }
0x7b: {  	_ =	shalt  }
0x7c: {  	_ =	shalt  }
0x7d: {  	_ =	shalt  }
0x7e: {  	_ =	shalt  }
0x7f: {  	_ =	shalt  }
0x80: {  	_ =	shalt  }
0x81: {  	_ =	shalt  }
0x82: {  	_ =	shalt  }
0x83: {  	_ =	shalt  }
0x84: {  	_ =	shalt  }
0x85: {  	_ =	shalt  }
0x86: {  	_ =	shalt  }
0x87: {  	_ =	shalt  }
.Lfunc_end0:
.L_simem_size_0:
called_computation_lowered:
.L_overlay_start_0:
0x88: {  	s2 =	sld [smem:$0x3FD9]  }
0x89: {  	s3 =	sld [smem:$0x3FFE];
	_ =	sdelay $0x1  }
0x8a: {  	s1 =	srdreg.scid  }
0x8b: {  	s0 =	sand.u32 $0x1, s1  }
0x8c: {  	s14 =	sshll.u32 s0, $0xA;
	s2 =	sadd.s32 s3, s2  }
0x8d: {  	s2 =	sadd.s32 s2, s14  }
0x8e: {  	[smem:$0x3FBF] =	sst s2  }
0x8f: {  	_ = 	snop  }
0x90: {  	s2 =	sld [smem:$0x3FD0];
	_ =	sdelay $0x1  }
0x91: {  	s15 =	sld [smem:$0x3FC6]  }
0x92: {  	s5 =	simm.s32 $0xA;
	s6 =	simm.s32 $0x10;
	s4 =	sld [smem:$0x3FC1]  }
0x93: {  	[smem:s6], [sflag:s5] =	dma.local [hbm:s2], $0x1  }
0x94: {  	_ =	swait.eq [sflag:s5], $0x1  }
0x95: {  	[sflag:s5] =	ssyncset.done $0x0  }
0x96: {  	[sflag:s5] =	ssyncadd.s32 $0xFFFFFFFF  }
0x97: {  	s16 =	sld [smem:$0x10];
	(tm) =	ssettm $0x1  }
0x98: {  	s17 =	sld [smem:$0x3FFB];
	_ =	sdelay $0x3  }
0x99: {  	_ =	strace s17  }
0x9a: {  	s5 =	sld [smem:$0x3FFC];
	_ =	sdelay $0x3  }
0x9b: {  	_ =	strace s5  }
0x9c: {  	s5 =	sld [smem:$0x3FFD];
	_ =	sdelay $0x3  }
0x9d: {  	_ =	strace s5  }
0x9e: {  	_ =	strace $0x8FFFFFFF  }
0x9f: {  	s18 =	sld [smem:$0x3FDB];
	_ =	sdelay $0x1  }
0xa0: {  	s19 =	simm.s32 $_scs_section_size  }
0xa1: {  	s7 =	simm.s32 $_size__tile_overlayer_lowered;
	s8 =	simm.s32 $_tile_overlayer_lowered  }
0xa2: {  	s22 =	simm.s32 $0x1BFF;
	s21 =	sshll.u32 s8, $0x1;
	s5 =	sadd.s32 s19, s18  }
0xa3: {  	s9 =	simm.s32 $0x0;
	s20 =	sshll.u32 s7, $0x1;
	s7 =	sadd.s32 s21, s5  }
0xa4: {  	[timem:s9], [sflag:s22] =	dma.local [hbm:s7], s20  }
0xa5: {  	_ =	swait.ge [sflag:s22], s20  }
0xa6: {  	s6 =	ssub.s32 $0x0, s20;
	[sflag:s22] =	ssyncset.done $0x0  }
0xa7: {  	[sflag:s22] =	ssyncadd.s32 s6;
	_ =	sdelay $0x1  }
0xa8: {  	s23 =	simm.s32 $0x1B8B  }
0xa9: {  	_ =	swait.ge [sflag:s23], $0x1  }
0xaa: {  	[sflag:s23] =	ssyncset.done $0x0  }
0xab: {  	s25 =	simm.s32 $0x1B8E;
	s24 =	sld [smem:$0x3FFE];
	[sflag:s23] =	ssyncadd.s32 $0xFFFFFFFF  }
0xac: {  	s26 =	simm.s32 $execute0_lowered;
	[smem:$0x3FD2] =	sst s25  }
0xad: {  	s7 =	sshll.u32 s26, $0x1;
	_ =	strace $0x80000046;
	[dreg:$0x1] =	wrdreg $0xFFFFFFFF  }
0xae: {  	s28 =	simm.s32 $_size_execute0_lowered;
	s5 =	sadd.s32 s5, s7;
	[dreg:$0x0] =	wrdreg $0x0  }
0xaf: {  	s7 =	sshll.u32 s28, $0x1;
	[dreg:$0x2] =	wrdreg s5  }
0xb0: {  	[dreg:$0x3] =	wrdreg s7  }
0xb1: {  	[dreg:$0x4] =	wrdreg $0xC0  }
0xb2: {  	_ =	task [dreg:s9], $0x5FFFF  }
0xb3: {  	[dreg:$0x1] =	wrdreg $0xFFFFFFFF  }
0xb4: {  	[dreg:$0x0] =	wrdreg $0x60  }
0xb5: {  	[dreg:$0x2] =	wrdreg s16  }
0xb6: {  	[dreg:$0x3] =	wrdreg s15  }
0xb7: {  	[dreg:$0x4] =	wrdreg s24  }
0xb8: {  	[dreg:$0x5] =	wrdreg s4  }
0xb9: {  	[dreg:$0x6] =	wrdreg $0x51800  }
0xba: {  	[dreg:$0x7] =	wrdreg $0x9  }
0xbb: {  	_ =	task.clear_ibuf [dreg:s9], $0x8FFFF;
	_ =	strace $0x90000046  }
0xbc: {  	s29 =	simm.s32 $0x9;
	_ =	strace $0x80000048  }
0xbd: {  	_ =	swait.ge [sflag:s29], $0x1  }
0xbe: {  	[sflag:s29] =	ssyncadd.s32 $0xFFFFFFFF  }
0xbf: {  	_ =	strace $0x90000048  }
0xc0: {  	_ =	sfence  }
0xc1: {  	s30 =	sld [smem:$0x0];
	_ =	sdelay $0x2  }
0xc2: {  	s31 =	sshll.u32 s1, $0xD;
	s1 =	sshrl.u32 s1, $0x2  }
0xc3: {  	s3 =	sand.u32 $0x4000, s31;
	s1 =	sadd.s32 s1, s30  }
0xc4: {  	s0 =	sor.u32 s3, s0;
	s1 =	sshll.u32 s1, $0x11  }
0xc5: {  	s0 =	sor.u32 s1, s0  }
0xc6: {  	s0 =	sadd.s32 $0x8F2B, s0  }
0xc7: {  	[sflag:s0] =	ssyncadd.remote.s32 $0x1  }
0xc8: {  	_ =	sfence.sel $0xFFFF  }
0xc9: {  	[dreg:$0x0] =	wrdreg $0xFFFFFFFF;
	(pc) =	sbr.abs _section_cstart, $3  }
0xca: {  	[dreg:$0x1] =	wrdreg $0xFFFFFFFF  }
0xcb: {  	_ =	task.clear_ibuf [dreg:s9], $0x2FFFF;
	_ =	strace $0x9FFFFFFF  }
0xcc: {  	(tm) =	ssettm $0x7FFFFFFF  }
0xcd: {  	_ =	shalt  }
tec
execute0_lowered:
.L_overlay_start_1:
0x0: {  	(tag) =	ssettag $0x1  }
0x1: {  	s0 =	rddreg [dreg:$0x0]  }
0x2: {  	s2 =	rddreg [dreg:$0x1]  }
0x3: {  	s7 =	rddreg [dreg:$0x2]  }
0x4: {  	s11 =	rddreg [dreg:$0x3]  }
0x5: {  	s4 =	rddreg [dreg:$0x4]  }
0x6: {  	s1 =	srdreg.scid;
	s3 =	rddreg [dreg:$0x5]  }
0x7: {  	s5 =	simm.s32 $0x0;
	s17 =	simm.s32 $0x50;
	s8 =	sand.u32 $0x1, s1  }
0x8: {  	s18 =	simm.s32 $0x180;
	s1 =	stileid.u32;
	s6 =	smul.u32 $0x27100, s8  }
0x9: {  	s19 =	simm.s32 $0x2980;
	s20 =	simm.s32 $0x1;
	s9 =	smul.u32 $0x2710, s1  }
0xa: {  	s21 =	simm.s32 $0x2;
	[smem:$0x7FF] =	sst s5;
	s10 =	smul.u32 $0x140000, s8  }
0xb: {  	s22 =	simm.s32 $0x0;
	s12 =	smul.u32 $0x14000, s1;
	_ =	strace $0x80000047  }
0xc: {  	s30 =	smul.u32 $0x50000, s1;
	s31 =	ssub.s32 $0x2, s8;
	s14 =	sshll.u32 s1, $0x6  }
0xd: {  	s8 =	sshrl.u32 s31, $0x1;
	s6 =	sadd.s32 s9, s6;
	s26 =	sadd.s32 s12, s10  }
0xe: {  	s10 =	sshrl.u32 s30, $0x2;
	s15 =	ssub.s32 s31, s8;
	s13 =	sshrl.u32 s6, $0x3  }
0xf: {  	s29 =	sshrl.u32 s26, $0x3;
	s6 =	sadd.s32 $0x15000, s7;
	s16 =	sadd.s32 s10, s4  }
0x10: {  	s28 =	sadd.s32 s13, s7;
	s9 =	sadd.s32 s29, s7;
	s7 =	sor.u32 $0x1C03, s14  }
0x11: {  	s11 =	sadd.s32 s13, s11;
	s13 =	sshrl.u32 s16, $0x3;
	s14 =	simm.s32 $0x3  }
0x12: {  	s16 =	simm.s32 $0x80;
	s8 =	sadd.s32 $0x17800, s9;
	s9 =	smax.u32 s15, $0x1  }
0x13: {  	s10 =	sadd.s32 $0x1400, s28;
	s12 =	sadd.s32 $0xB200, s28;
	s15 =	simm.s32 $0x100  }
.LBB2_1:
0x14: {  	[spmem:s13], [sflag:s7] =	dma.local [hbm:s6], $0x2800  }
0x15: {  	_ =	swait.ge [sflag:s14], $0x2800  }
0x16: {  	[sflag:s14] =	ssyncset.done $0x0  }
0x17: {  	[sflag:s14] =	ssyncadd.s32 $0xFFFFD800  }
0x18: {  	s23 =	sadd.s32 $0x0, s12;
	[bflag:$0x0] =	sbarrier.arrive $0xFFFF  }
0x19: {  	[tilespmem:s5], [sflag:$0x3] =	stream.linear.gather [hbm4b:s23+s5], $0x50, $0x38;
	[tilespmem:$0x19180] =	vst v63  }
0x1a: {  	_ =	swait.ge [sflag:s14], $0x50  }
0x1b: {  	[sflag:s14] =	ssyncset.done $0x0  }
0x1c: {  	s30 =	sadd.s32 $0x0, s11;
	[sflag:s14] =	ssyncadd.s32 $0xFFFFFFB0  }
0x1d: {  	[tilespmem:s15], [sflag:$0x3] =	stream.linear.gather [hbm4b:s30+s5], $0x50, $0x38;
	[tilespmem:$0x19180] =	vst v63  }
0x1e: {  	_ =	swait.ge [sflag:s14], $0x50  }
0x1f: {  	[sflag:s14] =	ssyncset.done $0x0  }
0x20: {  	s31 =	sadd.s32 $0x0, s10;
	[sflag:s14] =	ssyncadd.s32 $0xFFFFFFB0  }
0x21: {  	[tilespmem:s16], [sflag:$0x3] =	stream.linear.gather [hbm4b:s31+s5], $0x50, $0x38;
	[tilespmem:$0x19180] =	vst v63  }
0x22: {  	_ =	swait.ge [sflag:s14], $0x50  }
0x23: {  	[sflag:s14] =	ssyncset.done $0x0  }
0x24: {  	[sflag:s14] =	ssyncadd.s32 $0xFFFFFFB0  }
0x25: {  	[tilespmem:s18], [sflag:$0x1] =	stream.indirect.gather [hbm4b:s0+s17], $0x80, s5, s17, $0xb8;
	[tilespmem:$0x19180] =	vst v63  }
0x26: {  	_ = 	snop  }
0x27: {  	[tilespmem:s19], [sflag:$0x2] =	stream.indirect.gather [hbm4b:s2+s17], $0x80, s15, s17, $0xb8;
	[tilespmem:$0x19180] =	vst v63  }
0x28: {  	_ =	swait.ge [sflag:s20], $0x2800  }
0x29: {  	[sflag:s20] =	ssyncset.done $0x0  }
0x2a: {  	[sflag:s20] =	ssyncadd.s32 $0xFFFFD800  }
0x2b: {  	[spmem:s4] =	stream.indirect.scatter.add.f32 [tilespmem:s18], [sflag:$0x3], $0x80, s16, s17, $0xb8;
	[tilespmem:$0x19180] =	vst v63  }
0x2c: {  	_ =	swait.ge [sflag:s14], $0x2800  }
0x2d: {  	[sflag:s14] =	ssyncset.done $0x0  }
0x2e: {  	[sflag:s14] =	ssyncadd.s32 $0xFFFFD800  }
0x2f: {  	_ =	swait.ge [sflag:s21], $0x2800  }
0x30: {  	[sflag:s21] =	ssyncset.done $0x0  }
0x31: {  	[sflag:s21] =	ssyncadd.s32 $0xFFFFD800  }
0x32: {  	[spmem:s4] =	stream.indirect.scatter.add.f32 [tilespmem:s19], [sflag:$0x3], $0x80, s16, s17, $0xb8;
	[tilespmem:$0x19180] =	vst v63  }
0x33: {  	_ =	swait.ge [sflag:s14], $0x2800  }
0x34: {  	s24 =	simm.s32 $0x14;
	s23 =	simm.s32 $0xA;
	[sflag:s14] =	ssyncset.done $0x0  }
.LBB2_2:
0x35: {  	s25 =	sadd.s32 s23, s12  }
0x36: {  	[sflag:s14] =	ssyncadd.s32 $0xFFFFD800;
	s26 =	smov.u32 s24;
	s28 =	sadd.s32 $0xA, s24  }
0x37: {  	[tilespmem:s5], [sflag:$0x3] =	stream.linear.gather [hbm4b:s25+s5], $0x50, $0x38;
	[tilespmem:$0x19180] =	vst v63  }
0x38: {  	p0 =	sne.s32 s24, $0x4D8;
	_ =	swait.ge [sflag:s14], $0x50  }
0x39: {  	[sflag:s14] =	ssyncset.done $0x0  }
0x3a: {  	s24 =	sadd.s32 s23, s11;
	[sflag:s14] =	ssyncadd.s32 $0xFFFFFFB0  }
0x3b: {  	[tilespmem:s15], [sflag:$0x3] =	stream.linear.gather [hbm4b:s24+s5], $0x50, $0x38;
	[tilespmem:$0x19180] =	vst v63  }
0x3c: {  	_ =	swait.ge [sflag:s14], $0x50  }
0x3d: {  	[sflag:s14] =	ssyncset.done $0x0  }
0x3e: {  	s24 =	sadd.s32 s23, s10;
	s23 =	smov.u32 s26;
	[sflag:s14] =	ssyncadd.s32 $0xFFFFFFB0  }
0x3f: {  	[tilespmem:s16], [sflag:$0x3] =	stream.linear.gather [hbm4b:s24+s5], $0x50, $0x38;
	[tilespmem:$0x19180] =	vst v63  }
0x40: {  	_ =	swait.ge [sflag:s14], $0x50  }
0x41: {  	[sflag:s14] =	ssyncset.done $0x0  }
0x42: {  	[sflag:s14] =	ssyncadd.s32 $0xFFFFFFB0  }
0x43: {  	[tilespmem:s18], [sflag:$0x1] =	stream.indirect.gather [hbm4b:s0+s17], $0x80, s5, s17, $0xb8;
	[tilespmem:$0x19180] =	vst v63  }
0x44: {  	_ = 	snop  }
0x45: {  	[tilespmem:s19], [sflag:$0x2] =	stream.indirect.gather [hbm4b:s2+s17], $0x80, s15, s17, $0xb8;
	[tilespmem:$0x19180] =	vst v63  }
0x46: {  	_ =	swait.ge [sflag:s20], $0x2800  }
0x47: {  	[sflag:s20] =	ssyncset.done $0x0  }
0x48: {  	[sflag:s20] =	ssyncadd.s32 $0xFFFFD800  }
0x49: {  	[spmem:s4] =	stream.indirect.scatter.add.f32 [tilespmem:s18], [sflag:$0x3], $0x80, s16, s17, $0xb8;
	[tilespmem:$0x19180] =	vst v63  }
0x4a: {  	_ =	swait.ge [sflag:s14], $0x2800  }
0x4b: {  	[sflag:s14] =	ssyncset.done $0x0  }
0x4c: {  	[sflag:s14] =	ssyncadd.s32 $0xFFFFD800  }
0x4d: {  	_ =	swait.ge [sflag:s21], $0x2800  }
.Ltmp0:
0x4e: {  	[sflag:s21] =	ssyncset.done $0x0;
	(pc) =	sbr.rel @p0 .LBB2_2-.Ltmp0, $4  }
0x4f: {  	[sflag:s21] =	ssyncadd.s32 $0xFFFFD800  }
0x50: {  	[spmem:s4] =	stream.indirect.scatter.add.f32 [tilespmem:s19], [sflag:$0x3], $0x80, s16, s17, $0xb8;
	[tilespmem:$0x19180] =	vst v63  }
0x51: {  	_ =	swait.ge [sflag:s14], $0x2800  }
0x52: {  	s24 =	smov.u32 s28;
	[sflag:s14] =	ssyncset.done $0x0  }
0x53: {  	s24 =	sadd.s32 s23, s12;
	[sflag:s14] =	ssyncadd.s32 $0xFFFFD800  }
0x54: {  	[tilespmem:s5], [sflag:$0x3] =	stream.linear.gather [hbm4b:s24+s5], $0x50, $0x38;
	[tilespmem:$0x19180] =	vst v63  }
0x55: {  	_ =	swait.ge [sflag:s14], $0x50  }
0x56: {  	[sflag:s14] =	ssyncset.done $0x0  }
0x57: {  	s30 =	sadd.s32 s23, s11;
	[sflag:s14] =	ssyncadd.s32 $0xFFFFFFB0  }
0x58: {  	[tilespmem:s15], [sflag:$0x3] =	stream.linear.gather [hbm4b:s30+s5], $0x50, $0x38;
	[tilespmem:$0x19180] =	vst v63  }
0x59: {  	_ =	swait.ge [sflag:s14], $0x50  }
0x5a: {  	[sflag:s14] =	ssyncset.done $0x0  }
0x5b: {  	s31 =	sadd.s32 s23, s10;
	[sflag:s14] =	ssyncadd.s32 $0xFFFFFFB0  }
0x5c: {  	[tilespmem:s16], [sflag:$0x3] =	stream.linear.gather [hbm4b:s31+s5], $0x50, $0x38;
	[tilespmem:$0x19180] =	vst v63  }
0x5d: {  	_ =	swait.ge [sflag:s14], $0x50  }
0x5e: {  	[sflag:s14] =	ssyncset.done $0x0  }
0x5f: {  	[sflag:s14] =	ssyncadd.s32 $0xFFFFFFB0  }
0x60: {  	[tilespmem:s18], [sflag:$0x1] =	stream.indirect.gather [hbm4b:s0+s17], $0x80, s5, s17, $0xb8;
	[tilespmem:$0x19180] =	vst v63  }
0x61: {  	_ = 	snop  }
0x62: {  	[tilespmem:s19], [sflag:$0x2] =	stream.indirect.gather [hbm4b:s2+s17], $0x80, s15, s17, $0xb8;
	[tilespmem:$0x19180] =	vst v63  }
0x63: {  	_ =	swait.ge [sflag:s20], $0x2800  }
0x64: {  	[sflag:s20] =	ssyncset.done $0x0  }
0x65: {  	[sflag:s20] =	ssyncadd.s32 $0xFFFFD800  }
0x66: {  	[spmem:s4] =	stream.indirect.scatter.add.f32 [tilespmem:s18], [sflag:$0x3], $0x80, s16, s17, $0xb8;
	[tilespmem:$0x19180] =	vst v63  }
0x67: {  	_ =	swait.ge [sflag:s14], $0x2800  }
0x68: {  	[sflag:s14] =	ssyncset.done $0x0  }
0x69: {  	[sflag:s14] =	ssyncadd.s32 $0xFFFFD800  }
0x6a: {  	_ =	swait.ge [sflag:s21], $0x2800  }
0x6b: {  	[sflag:s21] =	ssyncset.done $0x0  }
0x6c: {  	[sflag:s21] =	ssyncadd.s32 $0xFFFFD800  }
0x6d: {  	[spmem:s4] =	stream.indirect.scatter.add.f32 [tilespmem:s19], [sflag:$0x3], $0x80, s16, s17, $0xb8;
	[tilespmem:$0x19180] =	vst v63  }
0x6e: {  	_ =	swait.ge [sflag:s14], $0x2800  }
0x6f: {  	s22 =	sadd.s32 $0x1, s22;
	[sflag:s14] =	ssyncset.done $0x0  }
0x70: {  	p0 =	sne.s32 s22, s9;
	[sflag:s14] =	ssyncadd.s32 $0xFFFFD800  }
.Ltmp1:
0x71: {  	[bflag:$0x0] =	sbarrier.arrive $0xFFFF;
	(pc) =	sbr.rel @p0 .LBB2_1-.Ltmp1, $4  }
0x72: {  	[hbm:s8], [sflag:s7] =	dma.local [spmem:s13], $0x2800  }
0x73: {  	_ =	swait.ge [sflag:s14], $0x2800  }
0x74: {  	[sflag:s14] =	ssyncset.done $0x0  }
0x75: {  	[sflag:s14] =	ssyncadd.s32 $0xFFFFD800  }
0x76: {  	_ =	sfence.sel $0x180000  }
0x77: {  	[bflag:$0x0] =	sbarrier.arrive $0xFFFF  }
0x78: {  	p0 =	sne.s32 s1, $0x0;
	_ =	strace $0x90000047  }
0x79: {  	s0 =	sadd.s32 @!p0 $0x100000, s3;
	[bflag:$0x2] =	sbarrier.arrive $0xFFFF  }
0x7a: {  	[sflag:s0] =	ssyncadd.tile.s32 @!p0 $0x1;
	_ =	shalt  }
.Lfunc_end2:
_tile_overlayer_lowered:
.L_overlay_start_2:
0x7b: {  	(tag) =	ssettag $0x2  }
0x7c: {  	s0 =	rddreg [dreg:$0x0];
	s2 =	stileid.u32  }
0x7d: {  	s1 =	rddreg [dreg:$0x1];
	p0 =	sne.s32 s2, $0x0  }
0x7e: {  	s3 =	rddreg [dreg:$0x2];
	[bflag:$0x3] =	sbarrier.arrive $0xFFFF;
	s2 =	simm.s32 @!p0 $0x1C03  }
0x7f: {  	[timem:s3], [sflag:s2] =	dma.local @!p0 [hbm:s0], s1  }
0x80: {  	s0 =	simm.s32 @!p0 $0x3  }
0x81: {  	_ =	swait.ge @!p0 [sflag:s0], s1  }
0x82: {  	s1 =	ssub.s32 @!p0 $0x0, s1;
	[sflag:s0] =	ssyncset.done @!p0 $0x0  }
0x83: {  	[sflag:s0] =	ssyncadd.s32 @!p0 s1  }
0x84: {  	[bflag:$0x3] =	sbarrier.arrive $0xFFFF  }
0x85: {  	_ =	shalt  }

</sc_bundles>
